<compile_context>
chip_gen: v7x
topology: tpu7x:2x2x1
jax: 0.10.2.dev20260603
libtpu: 0.0.44.dev20260713+nightly
codegen_flags: <defaults>
</compile_context>

<pallas_src>
import functools

import jax
import jax.numpy as jnp
from jax import lax
from jax.experimental import pallas as pl
from jax.experimental.pallas import tpu as pltpu
from jax.experimental.pallas import tpu_sc as plsc

D_MODEL = 128
MAX_REL = 32
LENGTH = 1024
TROWS = 2048

_NUM_CORES = 2
_NUM_SUBCORES = 16
_NUM_WORKERS = _NUM_CORES * _NUM_SUBCORES

_SC_ROWS = 512
_TC_ROWS = LENGTH - _SC_ROWS
_SC_ROWS_PER_WORKER = _SC_ROWS // _NUM_WORKERS
_TC_BLOCK_ROWS = 8


def _template_body(tab_ref, out_ref):
    k = lax.broadcasted_iota(jnp.int32, (TROWS, 128), 0)
    v = lax.broadcasted_iota(jnp.int32, (TROWS, 128), 1)
    idx = jnp.clip(k - (LENGTH - 1), -MAX_REL, MAX_REL) + MAX_REL
    onehot = (idx == v).astype(jnp.float32)
    out_ref[...] = lax.dot_general(
        onehot, tab_ref[...],
        dimension_numbers=(((1,), (0,)), ((), ())),
        preferred_element_type=jnp.float32,
    )


def _build_template(tab_padded):
    return pl.pallas_call(
        _template_body,
        out_shape=jax.ShapeDtypeStruct((TROWS, D_MODEL), jnp.float32),
    )(tab_padded)


def _sc_fanout_body(tmpl_hbm, out_hbm, tmpl_sh):
    c = lax.axis_index("c")
    s = lax.axis_index("s")

    @pl.when(s == 0)
    def _():
        pltpu.sync_copy(tmpl_hbm, tmpl_sh)

    plsc.subcore_barrier()

    wid = s * _NUM_CORES + c
    base = wid * _SC_ROWS_PER_WORKER

    def row(r, carry):
        i = base + r
        start = (LENGTH - 1) - i
        pltpu.sync_copy(tmpl_sh.at[pl.ds(start, LENGTH)], out_hbm.at[i])
        return carry

    lax.fori_loop(0, _SC_ROWS_PER_WORKER, row, 0)


@functools.cache
def _sc_fanout():
    return pl.kernel(
        _sc_fanout_body,
        out_type=jax.ShapeDtypeStruct((LENGTH, LENGTH, D_MODEL), jnp.float32),
        mesh=plsc.VectorSubcoreMesh(core_axis_name="c", subcore_axis_name="s",
                                    num_cores=_NUM_CORES,
                                    num_subcores=_NUM_SUBCORES),
        scratch_types=[pltpu.VMEM_SHARED((TROWS, D_MODEL), jnp.float32)],
    )


def _tc_fill_body(tmpl_ref, partial_ref, out_ref):
    del partial_ref
    pid = pl.program_id(0)
    for k in range(_TC_BLOCK_ROWS):
        i = _SC_ROWS + pid * _TC_BLOCK_ROWS + k
        start = (LENGTH - 1) - i
        pltpu.sync_copy(tmpl_ref.at[pl.ds(start, LENGTH), :], out_ref.at[k])


def _tc_fill(tmpl, partial):
    return pl.pallas_call(
        _tc_fill_body,
        grid=(_TC_ROWS // _TC_BLOCK_ROWS,),
        in_specs=[
            pl.BlockSpec((TROWS, D_MODEL), lambda i: (0, 0)),
            pl.BlockSpec(memory_space=pl.ANY),
        ],
        out_specs=pl.BlockSpec((_TC_BLOCK_ROWS, LENGTH, D_MODEL),
                               lambda i: (i + _SC_ROWS // _TC_BLOCK_ROWS, 0, 0)),
        out_shape=jax.ShapeDtypeStruct((LENGTH, LENGTH, D_MODEL), jnp.float32),
        input_output_aliases={1: 0},
    )(tmpl, partial)


def kernel(length, rel_pos_embeddings):
    del length
    tab_padded = jnp.zeros((128, D_MODEL), jnp.float32)
    tab_padded = lax.dynamic_update_slice(
        tab_padded, rel_pos_embeddings.astype(jnp.float32), (0, 0))
    tmpl = _build_template(tab_padded)
    partial = _sc_fanout()(tmpl)
    return _tc_fill(tmpl, partial)

# --- scband reference (transcript-rebuilt; emitter-appended) ---
"""Pipeline reference for scband-relative-positional-encoding-50964081935045 (READ-ONLY COPY).

The authoritative reference and input builder live on the scoring server;
editing this copy changes nothing except your own understanding.
"""

import jax, jax.numpy as jnp
import numpy as np

D_MODEL = 128
MAX_REL = 32
LENGTH = 1024

def setup_inputs(seed: int = 0) -> dict:
    key = jax.random.key(seed)
    rel_pos_embeddings = jax.random.normal(key, (2 * MAX_REL + 1, D_MODEL), dtype=jnp.float32) * 0.02
    return {"length": 1024, "rel_pos_embeddings": rel_pos_embeddings}

def reference(length, rel_pos_embeddings):
    range_vec = jnp.arange(LENGTH) + length * 0
    range_mat = jnp.tile(range_vec[None, :], (LENGTH, 1))
    distance_mat = range_mat - range_mat.T
    distance_mat = jnp.clip(distance_mat, -MAX_REL, MAX_REL)
    distance_mat = distance_mat + MAX_REL
    rel_pos = jnp.take(rel_pos_embeddings, distance_mat, axis=0)
    return rel_pos

if __name__ == "__main__":
    import jax
    _d = setup_inputs()
    print(jax.jit(kernel)(*tuple(_d.values())))

</pallas_src>

<mosaic_0001>
#map = affine_map<(d0, d1) -> (0, 0)>
#map1 = affine_map<(d0, d1) -> (0, 0, 0)>
module attributes {stable_mosaic.version = 14 : i64} {
  func.func @_sc_fanout_body(%arg0: i32, %arg1: i32, %arg2: memref<2048x128xf32, #tpu.memory_space<hbm>>, %arg3: memref<1024x1024x128xf32, #tpu.memory_space<hbm>>, %arg4: memref<2048x128xf32, #tpu.memory_space<vmem_shared>>) attributes {dimension_semantics = [#tpu.dimension_semantics<core_parallel>, #tpu.dimension_semantics<subcore_parallel>], iteration_bounds = array<i64: 2, 16>, scalar_prefetch = 0 : i64, scratch_operands = 1 : i64, tpu.core_type = #tpu.core_type<sc_vector_subcore>, window_params = [{transform_indices = #map}, {transform_indices = #map1}]} {
    %eq3A = arith.constant 0 : i32
    %eq3A_0 = arith.cmpi eq, %arg1, %eq3A : i32
    %convert_element_type3A = arith.extui %eq3A_0 : i1 to i32
    %cond3A = arith.constant 0 : i32
    %cond3A_1 = arith.cmpi ne, %convert_element_type3A, %cond3A : i32
    scf.if %cond3A_1 {
      "tpu.region"() ({
        %run_scoped3A = tpu.sem_alloc : memref<!tpu.dma_semaphore, #tpu.memory_space<semaphore_mem>>
        tpu.enqueue_dma source(%arg2 : memref<2048x128xf32, #tpu.memory_space<hbm>>) target(%arg4 : memref<2048x128xf32, #tpu.memory_space<vmem_shared>>) target_semaphore(%run_scoped3A : memref<!tpu.dma_semaphore, #tpu.memory_space<semaphore_mem>>)
        tpu.wait_dma2 semaphore(%run_scoped3A : memref<!tpu.dma_semaphore, #tpu.memory_space<semaphore_mem>>) src(%arg2 : memref<2048x128xf32, #tpu.memory_space<hbm>>) dst(%arg4 : memref<2048x128xf32, #tpu.memory_space<vmem_shared>>)
        tpu.yield
      }) : () -> ()
    } else {
    }
    %barrier3A = arith.constant 0 : index
    tpu.barrier barrier_id(%barrier3A)
    %mul3A = arith.constant 2 : i32
    %mul3A_2 = arith.muli %arg1, %mul3A : i32
    %add3A = arith.addi %mul3A_2, %arg0 : i32
    %mul3A_3 = arith.constant 16 : i32
    %mul3A_4 = arith.muli %add3A, %mul3A_3 : i32
    %scan3A = arith.constant 0 : i32
    %scan3A_5 = arith.constant 0 : i32
    %scan3A_6 = arith.constant 16 : i32
    %scan3A_7 = arith.addi %scan3A_5, %scan3A_6 : i32
    %scan3A_8 = arith.constant 1 : i32
    scf.for %scan3A_10 = %scan3A_5 to %scan3A_7 step %scan3A_8  : i32 {
      %add3A_11 = arith.addi %mul3A_4, %scan3A_10 : i32
      %sub3A = arith.constant 1023 : i32
      %sub3A_12 = arith.subi %sub3A, %add3A_11 : i32
      "tpu.region"() ({
        %run_scoped3A = tpu.sem_alloc : memref<!tpu.dma_semaphore, #tpu.memory_space<semaphore_mem>>
        %dma_start3A = arith.constant 0 : i32
        %dma_start3A_13 = arith.constant 0 : i32
        %dma_start3A_14 = tpu.memref_slice %arg3[%add3A_11, %dma_start3A, %dma_start3A_13] : memref<1024x1024x128xf32, #tpu.memory_space<hbm>> -> memref<1x1024x128xf32, #tpu.memory_space<hbm>>
        %dma_start3A_15 = tpu.memref_squeeze %dma_start3A_14 : memref<1x1024x128xf32, #tpu.memory_space<hbm>> -> memref<1024x128xf32, #tpu.memory_space<hbm>>
        %dma_start3A_16 = arith.constant 0 : i32
        %dma_start3A_17 = tpu.memref_slice %arg4[%sub3A_12, %dma_start3A_16] : memref<2048x128xf32, #tpu.memory_space<vmem_shared>> -> memref<1024x128xf32, #tpu.memory_space<vmem_shared>>
        tpu.enqueue_dma source(%dma_start3A_17 : memref<1024x128xf32, #tpu.memory_space<vmem_shared>>) target(%dma_start3A_15 : memref<1024x128xf32, #tpu.memory_space<hbm>>) target_semaphore(%run_scoped3A : memref<!tpu.dma_semaphore, #tpu.memory_space<semaphore_mem>>)
        %dma_wait3A = arith.constant 0 : i32
        %dma_wait3A_18 = arith.constant 0 : i32
        %dma_wait3A_19 = tpu.memref_slice %arg3[%add3A_11, %dma_wait3A, %dma_wait3A_18] : memref<1024x1024x128xf32, #tpu.memory_space<hbm>> -> memref<1x1024x128xf32, #tpu.memory_space<hbm>>
        %dma_wait3A_20 = tpu.memref_squeeze %dma_wait3A_19 : memref<1x1024x128xf32, #tpu.memory_space<hbm>> -> memref<1024x128xf32, #tpu.memory_space<hbm>>
        %dma_wait3A_21 = arith.constant 0 : i32
        %dma_wait3A_22 = tpu.memref_slice %arg4[%sub3A_12, %dma_wait3A_21] : memref<2048x128xf32, #tpu.memory_space<vmem_shared>> -> memref<1024x128xf32, #tpu.memory_space<vmem_shared>>
        tpu.wait_dma2 semaphore(%run_scoped3A : memref<!tpu.dma_semaphore, #tpu.memory_space<semaphore_mem>>) src(%dma_wait3A_22 : memref<1024x128xf32, #tpu.memory_space<vmem_shared>>) dst(%dma_wait3A_20 : memref<1024x128xf32, #tpu.memory_space<hbm>>)
        tpu.yield
      }) : () -> ()
    }
    %scan3A_9 = arith.constant 16 : i32
    return
  }
}

module attributes {stable_mosaic.version = 14 : i64} {
  func.func @_template_body(%arg0: memref<128x128xf32, #tpu.memory_space<vmem>>, %arg1: memref<2048x128xf32, #tpu.memory_space<vmem>>) attributes {dimension_semantics = [], scalar_prefetch = 0 : i64, scratch_operands = 0 : i64, tpu.core_type = #tpu.core_type<tc>} {
    %iota3A = tpu.iota {dimensions = array<i32: 0>} : vector<2048x128xi32>
    %iota3A_0 = tpu.iota {dimensions = array<i32: 1>} : vector<2048x128xi32>
    %sub3A = arith.constant 1023 : i32
    %sub3A_1 = vector.broadcast %sub3A : i32 to vector<2048x128xi32>
    %sub3A_2 = arith.subi %iota3A, %sub3A_1 : vector<2048x128xi32>
    %jit3A = arith.constant -32 : i32
    %jit3A_3 = arith.constant 32 : i32
    %max3A = vector.broadcast %jit3A : i32 to vector<2048x128xi32>
    %max3A_4 = arith.maxsi %max3A, %sub3A_2 : vector<2048x128xi32>
    %min3A = vector.broadcast %jit3A_3 : i32 to vector<2048x128xi32>
    %min3A_5 = arith.minsi %min3A, %max3A_4 : vector<2048x128xi32>
    %add3A = arith.constant 32 : i32
    %add3A_6 = vector.broadcast %add3A : i32 to vector<2048x128xi32>
    %add3A_7 = arith.addi %min3A_5, %add3A_6 : vector<2048x128xi32>
    %eq3A = arith.cmpi eq, %add3A_7, %iota3A_0 : vector<2048x128xi32>
    %convert_element_type3A = arith.extui %eq3A : vector<2048x128xi1> to vector<2048x128xi32>
    %convert_element_type3A_8 = arith.sitofp %convert_element_type3A : vector<2048x128xi32> to vector<2048x128xf32>
    %get3A = arith.constant 0 : index
    %get3A_9 = arith.constant 0 : index
    %get3A_10 = vector.load %arg0[%get3A, %get3A_9] : memref<128x128xf32, #tpu.memory_space<vmem>>, vector<128x128xf32>
    %dot_general3A = arith.constant dense<0.000000e+00> : vector<2048x128xf32>
    %dot_general3A_11 = tpu.matmul %convert_element_type3A_8, %get3A_10, %dot_general3A {dimension_numbers = #tpu.dot_dimension_numbers<[1], [0], [0], [1], [0, 0, 1, 1], [], []>, transpose_lhs_hint = false} : vector<2048x128xf32>, vector<128x128xf32>, vector<2048x128xf32> -> vector<2048x128xf32>
    %swap3A = arith.constant 0 : index
    %swap3A_12 = arith.constant 0 : index
    %swap3A_13 = vector.load %arg1[%swap3A, %swap3A_12] : memref<2048x128xf32, #tpu.memory_space<vmem>>, vector<2048x128xf32>
    tpu.vector_store %arg1[%swap3A, %swap3A_12], %dot_general3A_11 {strides = array<i32>} : memref<2048x128xf32, #tpu.memory_space<vmem>>, vector<2048x128xf32>,
    return
  }
}

module attributes {stable_mosaic.version = 14 : i64} {
  func.func @_tc_fill_body(%arg0: i32, %arg1: memref<2048x128xf32, #tpu.memory_space<vmem>>, %arg2: memref<1024x1024x128xf32, #tpu.memory_space<any>>, %arg3: memref<8x1024x128xf32, #tpu.memory_space<vmem>>) attributes {dimension_semantics = [#tpu.dimension_semantics<arbitrary>], iteration_bounds = array<i64: 64>, scalar_prefetch = 0 : i64, scratch_operands = 0 : i64, tpu.core_type = #tpu.core_type<tc>, window_params = [{pipeline_mode = #tpu.pipeline_mode<synchronous>, transform_indices = @transform_0, window_bounds = array<i64: 2048, 128>}, {}, {transform_indices = @transform_2, window_bounds = array<i64: 8, 1024, 128>}]} {
    %mul3A = arith.constant 8 : i32
    %mul3A_0 = arith.muli %arg0, %mul3A : i32
    %add3A = arith.constant 512 : i32
    %add3A_1 = arith.addi %add3A, %mul3A_0 : i32
    %add3A_2 = arith.constant 0 : i32
    %add3A_3 = arith.addi %add3A_1, %add3A_2 : i32
    %sub3A = arith.constant 1023 : i32
    %sub3A_4 = arith.subi %sub3A, %add3A_3 : i32
    %run_scoped3A = arith.constant 0 : i32
    "tpu.region"() ({
      %run_scoped3A_68 = tpu.sem_alloc : memref<!tpu.dma_semaphore, #tpu.memory_space<semaphore_mem>>
      %dma_start3A = arith.constant 0 : i32
      %dma_start3A_69 = arith.constant 0 : i32
      %dma_start3A_70 = tpu.memref_slice %arg3[%run_scoped3A, %dma_start3A, %dma_start3A_69] : memref<8x1024x128xf32, #tpu.memory_space<vmem>> -> memref<1x1024x128xf32, #tpu.memory_space<vmem>>
      %dma_start3A_71 = tpu.memref_squeeze %dma_start3A_70 : memref<1x1024x128xf32, #tpu.memory_space<vmem>> -> memref<1024x128xf32, #tpu.memory_space<vmem>>
      %dma_start3A_72 = arith.constant 0 : i32
      %dma_start3A_73 = tpu.memref_slice %arg1[%sub3A_4, %dma_start3A_72] : memref<2048x128xf32, #tpu.memory_space<vmem>> -> memref<1024x128xf32, #tpu.memory_space<vmem>>
      tpu.enqueue_dma source(%dma_start3A_73 : memref<1024x128xf32, #tpu.memory_space<vmem>>) target(%dma_start3A_71 : memref<1024x128xf32, #tpu.memory_space<vmem>>) target_semaphore(%run_scoped3A_68 : memref<!tpu.dma_semaphore, #tpu.memory_space<semaphore_mem>>)
      %dma_wait3A = arith.constant 0 : i32
      %dma_wait3A_74 = arith.constant 0 : i32
      %dma_wait3A_75 = tpu.memref_slice %arg3[%run_scoped3A, %dma_wait3A, %dma_wait3A_74] : memref<8x1024x128xf32, #tpu.memory_space<vmem>> -> memref<1x1024x128xf32, #tpu.memory_space<vmem>>
      %dma_wait3A_76 = tpu.memref_squeeze %dma_wait3A_75 : memref<1x1024x128xf32, #tpu.memory_space<vmem>> -> memref<1024x128xf32, #tpu.memory_space<vmem>>
      %dma_wait3A_77 = arith.constant 0 : i32
      %dma_wait3A_78 = tpu.memref_slice %arg1[%sub3A_4, %dma_wait3A_77] : memref<2048x128xf32, #tpu.memory_space<vmem>> -> memref<1024x128xf32, #tpu.memory_space<vmem>>
      tpu.wait_dma2 semaphore(%run_scoped3A_68 : memref<!tpu.dma_semaphore, #tpu.memory_space<semaphore_mem>>) src(%dma_wait3A_78 : memref<1024x128xf32, #tpu.memory_space<vmem>>) dst(%dma_wait3A_76 : memref<1024x128xf32, #tpu.memory_space<vmem>>)
      tpu.yield
    }) : () -> ()
    %mul3A_5 = arith.constant 8 : i32
    %mul3A_6 = arith.muli %arg0, %mul3A_5 : i32
    %add3A_7 = arith.constant 512 : i32
    %add3A_8 = arith.addi %add3A_7, %mul3A_6 : i32
    %add3A_9 = arith.constant 1 : i32
    %add3A_10 = arith.addi %add3A_8, %add3A_9 : i32
    %sub3A_11 = arith.constant 1023 : i32
    %sub3A_12 = arith.subi %sub3A_11, %add3A_10 : i32
    %run_scoped3A_13 = arith.constant 1 : i32
    "tpu.region"() ({
      %run_scoped3A_68 = tpu.sem_alloc : memref<!tpu.dma_semaphore, #tpu.memory_space<semaphore_mem>>
      %dma_start3A = arith.constant 0 : i32
      %dma_start3A_69 = arith.constant 0 : i32
      %dma_start3A_70 = tpu.memref_slice %arg3[%run_scoped3A_13, %dma_start3A, %dma_start3A_69] : memref<8x1024x128xf32, #tpu.memory_space<vmem>> -> memref<1x1024x128xf32, #tpu.memory_space<vmem>>
      %dma_start3A_71 = tpu.memref_squeeze %dma_start3A_70 : memref<1x1024x128xf32, #tpu.memory_space<vmem>> -> memref<1024x128xf32, #tpu.memory_space<vmem>>
      %dma_start3A_72 = arith.constant 0 : i32
      %dma_start3A_73 = tpu.memref_slice %arg1[%sub3A_12, %dma_start3A_72] : memref<2048x128xf32, #tpu.memory_space<vmem>> -> memref<1024x128xf32, #tpu.memory_space<vmem>>
      tpu.enqueue_dma source(%dma_start3A_73 : memref<1024x128xf32, #tpu.memory_space<vmem>>) target(%dma_start3A_71 : memref<1024x128xf32, #tpu.memory_space<vmem>>) target_semaphore(%run_scoped3A_68 : memref<!tpu.dma_semaphore, #tpu.memory_space<semaphore_mem>>)
      %dma_wait3A = arith.constant 0 : i32
      %dma_wait3A_74 = arith.constant 0 : i32
      %dma_wait3A_75 = tpu.memref_slice %arg3[%run_scoped3A_13, %dma_wait3A, %dma_wait3A_74] : memref<8x1024x128xf32, #tpu.memory_space<vmem>> -> memref<1x1024x128xf32, #tpu.memory_space<vmem>>
      %dma_wait3A_76 = tpu.memref_squeeze %dma_wait3A_75 : memref<1x1024x128xf32, #tpu.memory_space<vmem>> -> memref<1024x128xf32, #tpu.memory_space<vmem>>
      %dma_wait3A_77 = arith.constant 0 : i32
      %dma_wait3A_78 = tpu.memref_slice %arg1[%sub3A_12, %dma_wait3A_77] : memref<2048x128xf32, #tpu.memory_space<vmem>> -> memref<1024x128xf32, #tpu.memory_space<vmem>>
      tpu.wait_dma2 semaphore(%run_scoped3A_68 : memref<!tpu.dma_semaphore, #tpu.memory_space<semaphore_mem>>) src(%dma_wait3A_78 : memref<1024x128xf32, #tpu.memory_space<vmem>>) dst(%dma_wait3A_76 : memref<1024x128xf32, #tpu.memory_space<vmem>>)
      tpu.yield
    }) : () -> ()
    %mul3A_14 = arith.constant 8 : i32
    %mul3A_15 = arith.muli %arg0, %mul3A_14 : i32
    %add3A_16 = arith.constant 512 : i32
    %add3A_17 = arith.addi %add3A_16, %mul3A_15 : i32
    %add3A_18 = arith.constant 2 : i32
    %add3A_19 = arith.addi %add3A_17, %add3A_18 : i32
    %sub3A_20 = arith.constant 1023 : i32
    %sub3A_21 = arith.subi %sub3A_20, %add3A_19 : i32
    %run_scoped3A_22 = arith.constant 2 : i32
    "tpu.region"() ({
      %run_scoped3A_68 = tpu.sem_alloc : memref<!tpu.dma_semaphore, #tpu.memory_space<semaphore_mem>>
      %dma_start3A = arith.constant 0 : i32
      %dma_start3A_69 = arith.constant 0 : i32
      %dma_start3A_70 = tpu.memref_slice %arg3[%run_scoped3A_22, %dma_start3A, %dma_start3A_69] : memref<8x1024x128xf32, #tpu.memory_space<vmem>> -> memref<1x1024x128xf32, #tpu.memory_space<vmem>>
      %dma_start3A_71 = tpu.memref_squeeze %dma_start3A_70 : memref<1x1024x128xf32, #tpu.memory_space<vmem>> -> memref<1024x128xf32, #tpu.memory_space<vmem>>
      %dma_start3A_72 = arith.constant 0 : i32
      %dma_start3A_73 = tpu.memref_slice %arg1[%sub3A_21, %dma_start3A_72] : memref<2048x128xf32, #tpu.memory_space<vmem>> -> memref<1024x128xf32, #tpu.memory_space<vmem>>
      tpu.enqueue_dma source(%dma_start3A_73 : memref<1024x128xf32, #tpu.memory_space<vmem>>) target(%dma_start3A_71 : memref<1024x128xf32, #tpu.memory_space<vmem>>) target_semaphore(%run_scoped3A_68 : memref<!tpu.dma_semaphore, #tpu.memory_space<semaphore_mem>>)
      %dma_wait3A = arith.constant 0 : i32
      %dma_wait3A_74 = arith.constant 0 : i32
      %dma_wait3A_75 = tpu.memref_slice %arg3[%run_scoped3A_22, %dma_wait3A, %dma_wait3A_74] : memref<8x1024x128xf32, #tpu.memory_space<vmem>> -> memref<1x1024x128xf32, #tpu.memory_space<vmem>>
      %dma_wait3A_76 = tpu.memref_squeeze %dma_wait3A_75 : memref<1x1024x128xf32, #tpu.memory_space<vmem>> -> memref<1024x128xf32, #tpu.memory_space<vmem>>
      %dma_wait3A_77 = arith.constant 0 : i32
      %dma_wait3A_78 = tpu.memref_slice %arg1[%sub3A_21, %dma_wait3A_77] : memref<2048x128xf32, #tpu.memory_space<vmem>> -> memref<1024x128xf32, #tpu.memory_space<vmem>>
      tpu.wait_dma2 semaphore(%run_scoped3A_68 : memref<!tpu.dma_semaphore, #tpu.memory_space<semaphore_mem>>) src(%dma_wait3A_78 : memref<1024x128xf32, #tpu.memory_space<vmem>>) dst(%dma_wait3A_76 : memref<1024x128xf32, #tpu.memory_space<vmem>>)
      tpu.yield
    }) : () -> ()
    %mul3A_23 = arith.constant 8 : i32
    %mul3A_24 = arith.muli %arg0, %mul3A_23 : i32
    %add3A_25 = arith.constant 512 : i32
    %add3A_26 = arith.addi %add3A_25, %mul3A_24 : i32
    %add3A_27 = arith.constant 3 : i32
    %add3A_28 = arith.addi %add3A_26, %add3A_27 : i32
    %sub3A_29 = arith.constant 1023 : i32
    %sub3A_30 = arith.subi %sub3A_29, %add3A_28 : i32
    %run_scoped3A_31 = arith.constant 3 : i32
    "tpu.region"() ({
      %run_scoped3A_68 = tpu.sem_alloc : memref<!tpu.dma_semaphore, #tpu.memory_space<semaphore_mem>>
      %dma_start3A = arith.constant 0 : i32
      %dma_start3A_69 = arith.constant 0 : i32
      %dma_start3A_70 = tpu.memref_slice %arg3[%run_scoped3A_31, %dma_start3A, %dma_start3A_69] : memref<8x1024x128xf32, #tpu.memory_space<vmem>> -> memref<1x1024x128xf32, #tpu.memory_space<vmem>>
      %dma_start3A_71 = tpu.memref_squeeze %dma_start3A_70 : memref<1x1024x128xf32, #tpu.memory_space<vmem>> -> memref<1024x128xf32, #tpu.memory_space<vmem>>
      %dma_start3A_72 = arith.constant 0 : i32
      %dma_start3A_73 = tpu.memref_slice %arg1[%sub3A_30, %dma_start3A_72] : memref<2048x128xf32, #tpu.memory_space<vmem>> -> memref<1024x128xf32, #tpu.memory_space<vmem>>
      tpu.enqueue_dma source(%dma_start3A_73 : memref<1024x128xf32, #tpu.memory_space<vmem>>) target(%dma_start3A_71 : memref<1024x128xf32, #tpu.memory_space<vmem>>) target_semaphore(%run_scoped3A_68 : memref<!tpu.dma_semaphore, #tpu.memory_space<semaphore_mem>>)
      %dma_wait3A = arith.constant 0 : i32
      %dma_wait3A_74 = arith.constant 0 : i32
      %dma_wait3A_75 = tpu.memref_slice %arg3[%run_scoped3A_31, %dma_wait3A, %dma_wait3A_74] : memref<8x1024x128xf32, #tpu.memory_space<vmem>> -> memref<1x1024x128xf32, #tpu.memory_space<vmem>>
      %dma_wait3A_76 = tpu.memref_squeeze %dma_wait3A_75 : memref<1x1024x128xf32, #tpu.memory_space<vmem>> -> memref<1024x128xf32, #tpu.memory_space<vmem>>
      %dma_wait3A_77 = arith.constant 0 : i32
      %dma_wait3A_78 = tpu.memref_slice %arg1[%sub3A_30, %dma_wait3A_77] : memref<2048x128xf32, #tpu.memory_space<vmem>> -> memref<1024x128xf32, #tpu.memory_space<vmem>>
      tpu.wait_dma2 semaphore(%run_scoped3A_68 : memref<!tpu.dma_semaphore, #tpu.memory_space<semaphore_mem>>) src(%dma_wait3A_78 : memref<1024x128xf32, #tpu.memory_space<vmem>>) dst(%dma_wait3A_76 : memref<1024x128xf32, #tpu.memory_space<vmem>>)
      tpu.yield
    }) : () -> ()
    %mul3A_32 = arith.constant 8 : i32
    %mul3A_33 = arith.muli %arg0, %mul3A_32 : i32
    %add3A_34 = arith.constant 512 : i32
    %add3A_35 = arith.addi %add3A_34, %mul3A_33 : i32
    %add3A_36 = arith.constant 4 : i32
    %add3A_37 = arith.addi %add3A_35, %add3A_36 : i32
    %sub3A_38 = arith.constant 1023 : i32
    %sub3A_39 = arith.subi %sub3A_38, %add3A_37 : i32
    %run_scoped3A_40 = arith.constant 4 : i32
    "tpu.region"() ({
      %run_scoped3A_68 = tpu.sem_alloc : memref<!tpu.dma_semaphore, #tpu.memory_space<semaphore_mem>>
      %dma_start3A = arith.constant 0 : i32
      %dma_start3A_69 = arith.constant 0 : i32
      %dma_start3A_70 = tpu.memref_slice %arg3[%run_scoped3A_40, %dma_start3A, %dma_start3A_69] : memref<8x1024x128xf32, #tpu.memory_space<vmem>> -> memref<1x1024x128xf32, #tpu.memory_space<vmem>>
      %dma_start3A_71 = tpu.memref_squeeze %dma_start3A_70 : memref<1x1024x128xf32, #tpu.memory_space<vmem>> -> memref<1024x128xf32, #tpu.memory_space<vmem>>
      %dma_start3A_72 = arith.constant 0 : i32
      %dma_start3A_73 = tpu.memref_slice %arg1[%sub3A_39, %dma_start3A_72] : memref<2048x128xf32, #tpu.memory_space<vmem>> -> memref<1024x128xf32, #tpu.memory_space<vmem>>
      tpu.enqueue_dma source(%dma_start3A_73 : memref<1024x128xf32, #tpu.memory_space<vmem>>) target(%dma_start3A_71 : memref<1024x128xf32, #tpu.memory_space<vmem>>) target_semaphore(%run_scoped3A_68 : memref<!tpu.dma_semaphore, #tpu.memory_space<semaphore_mem>>)
      %dma_wait3A = arith.constant 0 : i32
      %dma_wait3A_74 = arith.constant 0 : i32
      %dma_wait3A_75 = tpu.memref_slice %arg3[%run_scoped3A_40, %dma_wait3A, %dma_wait3A_74] : memref<8x1024x128xf32, #tpu.memory_space<vmem>> -> memref<1x1024x128xf32, #tpu.memory_space<vmem>>
      %dma_wait3A_76 = tpu.memref_squeeze %dma_wait3A_75 : memref<1x1024x128xf32, #tpu.memory_space<vmem>> -> memref<1024x128xf32, #tpu.memory_space<vmem>>
      %dma_wait3A_77 = arith.constant 0 : i32
      %dma_wait3A_78 = tpu.memref_slice %arg1[%sub3A_39, %dma_wait3A_77] : memref<2048x128xf32, #tpu.memory_space<vmem>> -> memref<1024x128xf32, #tpu.memory_space<vmem>>
      tpu.wait_dma2 semaphore(%run_scoped3A_68 : memref<!tpu.dma_semaphore, #tpu.memory_space<semaphore_mem>>) src(%dma_wait3A_78 : memref<1024x128xf32, #tpu.memory_space<vmem>>) dst(%dma_wait3A_76 : memref<1024x128xf32, #tpu.memory_space<vmem>>)
      tpu.yield
    }) : () -> ()
    %mul3A_41 = arith.constant 8 : i32
    %mul3A_42 = arith.muli %arg0, %mul3A_41 : i32
    %add3A_43 = arith.constant 512 : i32
    %add3A_44 = arith.addi %add3A_43, %mul3A_42 : i32
    %add3A_45 = arith.constant 5 : i32
    %add3A_46 = arith.addi %add3A_44, %add3A_45 : i32
    %sub3A_47 = arith.constant 1023 : i32
    %sub3A_48 = arith.subi %sub3A_47, %add3A_46 : i32
    %run_scoped3A_49 = arith.constant 5 : i32
    "tpu.region"() ({
      %run_scoped3A_68 = tpu.sem_alloc : memref<!tpu.dma_semaphore, #tpu.memory_space<semaphore_mem>>
      %dma_start3A = arith.constant 0 : i32
      %dma_start3A_69 = arith.constant 0 : i32
      %dma_start3A_70 = tpu.memref_slice %arg3[%run_scoped3A_49, %dma_start3A, %dma_start3A_69] : memref<8x1024x128xf32, #tpu.memory_space<vmem>> -> memref<1x1024x128xf32, #tpu.memory_space<vmem>>
      %dma_start3A_71 = tpu.memref_squeeze %dma_start3A_70 : memref<1x1024x128xf32, #tpu.memory_space<vmem>> -> memref<1024x128xf32, #tpu.memory_space<vmem>>
      %dma_start3A_72 = arith.constant 0 : i32
      %dma_start3A_73 = tpu.memref_slice %arg1[%sub3A_48, %dma_start3A_72] : memref<2048x128xf32, #tpu.memory_space<vmem>> -> memref<1024x128xf32, #tpu.memory_space<vmem>>
      tpu.enqueue_dma source(%dma_start3A_73 : memref<1024x128xf32, #tpu.memory_space<vmem>>) target(%dma_start3A_71 : memref<1024x128xf32, #tpu.memory_space<vmem>>) target_semaphore(%run_scoped3A_68 : memref<!tpu.dma_semaphore, #tpu.memory_space<semaphore_mem>>)
      %dma_wait3A = arith.constant 0 : i32
      %dma_wait3A_74 = arith.constant 0 : i32
      %dma_wait3A_75 = tpu.memref_slice %arg3[%run_scoped3A_49, %dma_wait3A, %dma_wait3A_74] : memref<8x1024x128xf32, #tpu.memory_space<vmem>> -> memref<1x1024x128xf32, #tpu.memory_space<vmem>>
      %dma_wait3A_76 = tpu.memref_squeeze %dma_wait3A_75 : memref<1x1024x128xf32, #tpu.memory_space<vmem>> -> memref<1024x128xf32, #tpu.memory_space<vmem>>
      %dma_wait3A_77 = arith.constant 0 : i32
      %dma_wait3A_78 = tpu.memref_slice %arg1[%sub3A_48, %dma_wait3A_77] : memref<2048x128xf32, #tpu.memory_space<vmem>> -> memref<1024x128xf32, #tpu.memory_space<vmem>>
      tpu.wait_dma2 semaphore(%run_scoped3A_68 : memref<!tpu.dma_semaphore, #tpu.memory_space<semaphore_mem>>) src(%dma_wait3A_78 : memref<1024x128xf32, #tpu.memory_space<vmem>>) dst(%dma_wait3A_76 : memref<1024x128xf32, #tpu.memory_space<vmem>>)
      tpu.yield
    }) : () -> ()
    %mul3A_50 = arith.constant 8 : i32
    %mul3A_51 = arith.muli %arg0, %mul3A_50 : i32
    %add3A_52 = arith.constant 512 : i32
    %add3A_53 = arith.addi %add3A_52, %mul3A_51 : i32
    %add3A_54 = arith.constant 6 : i32
    %add3A_55 = arith.addi %add3A_53, %add3A_54 : i32
    %sub3A_56 = arith.constant 1023 : i32
    %sub3A_57 = arith.subi %sub3A_56, %add3A_55 : i32
    %run_scoped3A_58 = arith.constant 6 : i32
    "tpu.region"() ({
      %run_scoped3A_68 = tpu.sem_alloc : memref<!tpu.dma_semaphore, #tpu.memory_space<semaphore_mem>>
      %dma_start3A = arith.constant 0 : i32
      %dma_start3A_69 = arith.constant 0 : i32
      %dma_start3A_70 = tpu.memref_slice %arg3[%run_scoped3A_58, %dma_start3A, %dma_start3A_69] : memref<8x1024x128xf32, #tpu.memory_space<vmem>> -> memref<1x1024x128xf32, #tpu.memory_space<vmem>>
      %dma_start3A_71 = tpu.memref_squeeze %dma_start3A_70 : memref<1x1024x128xf32, #tpu.memory_space<vmem>> -> memref<1024x128xf32, #tpu.memory_space<vmem>>
      %dma_start3A_72 = arith.constant 0 : i32
      %dma_start3A_73 = tpu.memref_slice %arg1[%sub3A_57, %dma_start3A_72] : memref<2048x128xf32, #tpu.memory_space<vmem>> -> memref<1024x128xf32, #tpu.memory_space<vmem>>
      tpu.enqueue_dma source(%dma_start3A_73 : memref<1024x128xf32, #tpu.memory_space<vmem>>) target(%dma_start3A_71 : memref<1024x128xf32, #tpu.memory_space<vmem>>) target_semaphore(%run_scoped3A_68 : memref<!tpu.dma_semaphore, #tpu.memory_space<semaphore_mem>>)
      %dma_wait3A = arith.constant 0 : i32
      %dma_wait3A_74 = arith.constant 0 : i32
      %dma_wait3A_75 = tpu.memref_slice %arg3[%run_scoped3A_58, %dma_wait3A, %dma_wait3A_74] : memref<8x1024x128xf32, #tpu.memory_space<vmem>> -> memref<1x1024x128xf32, #tpu.memory_space<vmem>>
      %dma_wait3A_76 = tpu.memref_squeeze %dma_wait3A_75 : memref<1x1024x128xf32, #tpu.memory_space<vmem>> -> memref<1024x128xf32, #tpu.memory_space<vmem>>
      %dma_wait3A_77 = arith.constant 0 : i32
      %dma_wait3A_78 = tpu.memref_slice %arg1[%sub3A_57, %dma_wait3A_77] : memref<2048x128xf32, #tpu.memory_space<vmem>> -> memref<1024x128xf32, #tpu.memory_space<vmem>>
      tpu.wait_dma2 semaphore(%run_scoped3A_68 : memref<!tpu.dma_semaphore, #tpu.memory_space<semaphore_mem>>) src(%dma_wait3A_78 : memref<1024x128xf32, #tpu.memory_space<vmem>>) dst(%dma_wait3A_76 : memref<1024x128xf32, #tpu.memory_space<vmem>>)
      tpu.yield
    }) : () -> ()
    %mul3A_59 = arith.constant 8 : i32
    %mul3A_60 = arith.muli %arg0, %mul3A_59 : i32
    %add3A_61 = arith.constant 512 : i32
    %add3A_62 = arith.addi %add3A_61, %mul3A_60 : i32
    %add3A_63 = arith.constant 7 : i32
    %add3A_64 = arith.addi %add3A_62, %add3A_63 : i32
    %sub3A_65 = arith.constant 1023 : i32
    %sub3A_66 = arith.subi %sub3A_65, %add3A_64 : i32
    %run_scoped3A_67 = arith.constant 7 : i32
    "tpu.region"() ({
      %run_scoped3A_68 = tpu.sem_alloc : memref<!tpu.dma_semaphore, #tpu.memory_space<semaphore_mem>>
      %dma_start3A = arith.constant 0 : i32
      %dma_start3A_69 = arith.constant 0 : i32
      %dma_start3A_70 = tpu.memref_slice %arg3[%run_scoped3A_67, %dma_start3A, %dma_start3A_69] : memref<8x1024x128xf32, #tpu.memory_space<vmem>> -> memref<1x1024x128xf32, #tpu.memory_space<vmem>>
      %dma_start3A_71 = tpu.memref_squeeze %dma_start3A_70 : memref<1x1024x128xf32, #tpu.memory_space<vmem>> -> memref<1024x128xf32, #tpu.memory_space<vmem>>
      %dma_start3A_72 = arith.constant 0 : i32
      %dma_start3A_73 = tpu.memref_slice %arg1[%sub3A_66, %dma_start3A_72] : memref<2048x128xf32, #tpu.memory_space<vmem>> -> memref<1024x128xf32, #tpu.memory_space<vmem>>
      tpu.enqueue_dma source(%dma_start3A_73 : memref<1024x128xf32, #tpu.memory_space<vmem>>) target(%dma_start3A_71 : memref<1024x128xf32, #tpu.memory_space<vmem>>) target_semaphore(%run_scoped3A_68 : memref<!tpu.dma_semaphore, #tpu.memory_space<semaphore_mem>>)
      %dma_wait3A = arith.constant 0 : i32
      %dma_wait3A_74 = arith.constant 0 : i32
      %dma_wait3A_75 = tpu.memref_slice %arg3[%run_scoped3A_67, %dma_wait3A, %dma_wait3A_74] : memref<8x1024x128xf32, #tpu.memory_space<vmem>> -> memref<1x1024x128xf32, #tpu.memory_space<vmem>>
      %dma_wait3A_76 = tpu.memref_squeeze %dma_wait3A_75 : memref<1x1024x128xf32, #tpu.memory_space<vmem>> -> memref<1024x128xf32, #tpu.memory_space<vmem>>
      %dma_wait3A_77 = arith.constant 0 : i32
      %dma_wait3A_78 = tpu.memref_slice %arg1[%sub3A_66, %dma_wait3A_77] : memref<2048x128xf32, #tpu.memory_space<vmem>> -> memref<1024x128xf32, #tpu.memory_space<vmem>>
      tpu.wait_dma2 semaphore(%run_scoped3A_68 : memref<!tpu.dma_semaphore, #tpu.memory_space<semaphore_mem>>) src(%dma_wait3A_78 : memref<1024x128xf32, #tpu.memory_space<vmem>>) dst(%dma_wait3A_76 : memref<1024x128xf32, #tpu.memory_space<vmem>>)
      tpu.yield
    }) : () -> ()
    return
  }
  func.func @transform_0(%arg0: i32) -> (i32, i32) {
    %c0_i32 = arith.constant 0 : i32
    %c0_i32_0 = arith.constant 0 : i32
    %c0_i32_1 = arith.constant 0 : i32
    return %c0_i32, %c0_i32_0 : i32, i32
  }
  func.func @transform_2(%arg0: i32) -> (i32, i32, i32) {
    %add3A = arith.constant 64 : i32
    %add3A_0 = arith.addi %arg0, %add3A : i32
    %c0_i32 = arith.constant 0 : i32
    %c0_i32_1 = arith.constant 0 : i32
    %c0_i32_2 = arith.constant 0 : i32
    return %add3A_0, %c0_i32, %c0_i32_1 : i32, i32, i32
  }
}

</mosaic_0001>

<sc_bundles>
// kernel: kernel.5.cloned.1.call-start
scs
__scs_entry_jumppad:
0x0: {  	(pc) =	sbr.rel $0x88, $3  }
0x1: {  	(tag) =	ssettag $0x0;
	lr =	simm.s32 $0x1  }
0x2: {  	[smem:$0x3FA0] =	sst lr;
	_ =	strace $0xD0000000  }
0x3: {  	_ = 	snop  }
0x4: {  	_ = 	snop  }
0x5: {  	_ = 	snop  }
0x6: {  	_ = 	snop  }
0x7: {  	_ = 	snop  }
__scs_overlays_trampoline_lowered:
0x8: {  	[smem:$0x3FAF] =	sst s0  }
0x9: {  	[smem:$0x3FB0] =	sst s1  }
0xa: {  	[smem:$0x3FB1] =	sst s2  }
0xb: {  	[smem:$0x3FB2] =	sst s3  }
0xc: {  	[smem:$0x3FB3] =	sst s4  }
0xd: {  	[smem:$0x3FB4] =	sst s5  }
0xe: {  	[smem:$0x3FB5] =	sst s6  }
0xf: {  	[smem:$0x3FB6] =	sst s7  }
0x10: {  	[smem:$0x3FB7] =	sst s8  }
0x11: {  	[smem:$0x3FB8] =	sst s9;
	s0 =	simm.s32 @!p0 $0x0  }
0x12: {  	s1 =	sld [smem:$0x3F9E];
	s0 =	simm.s32 @p0 $0x1  }
0x13: {  	[smem:$0x3FB9] =	sst s0;
	s0 =	simm.s32 @!p1 $0x0  }
0x14: {  	s2 =	sld [smem:$0x3F9D];
	s0 =	simm.s32 @p1 $0x1  }
0x15: {  	[smem:$0x3FBA] =	sst s0;
	s0 =	simm.s32 @!p2 $0x0  }
0x16: {  	s3 =	sld [smem:$0x3FDB];
	s0 =	simm.s32 @p2 $0x1  }
0x17: {  	s4 =	simm.s32 $0x1BF5;
	[smem:$0x3FBC] =	sst s0  }
0x18: {  	s0 =	sld [smem:$0x3F9F];
	_ =	swait.ge [sflag:s4], $0x0  }
0x19: {  	s7 =	sld [smem:$0x3FA0]  }
0x1a: {  	s8 =	sadd.s32 $0xFFFFE003, lr  }
0x1b: {  	s9 =	sadd.s32 $0xFFFFFEF7, lr;
	s5 =	simm.s32 $0xFFFFFFFF;
	p2 =	slt.u32 s8, $0xFFFFF086  }
0x1c: {  	p1 =	slt.u32 s9, $0xF7A;
	s5 =	simm.s32 @!p2 $0x0  }
0x1d: {  	s5 =	simm.s32 @p1 $0x1;
	p0 =	seq.s32 s7, s2  }
0x1e: {  	s7 =	smul.u32 @!p0 $0xF7A, s2;
	p2 =	seq.s32 @!p0 s5, $0x0  }
0x1f: {  	s9 =	smul.u32 $0xF7A, s1;
	s8 =	simm.s32 @!p0 $0x1BF5;
	p2 =	por !p2, p0  }
0x20: {  	[sflag:s8] =	ssyncset.s32 @!p0 $0xFFFFF086;
	s6 =	sadd.s32 @!p0 s3, s7;
	s7 =	simm.s32 @!p0 $0x108  }
0x21: {  	s3 =	sadd.s32 s3, s9;
	s6 =	sadd.s32 @!p0 $0x88, s6;
	s7 =	simm.s32 @p2 $0x1082  }
0x22: {  	[simem:s7], [sflag:s8] =	dma.local @!p0 [hbm:s6], $0xF7A  }
0x23: {  	s9 =	sor.u32 $0xD0000000, s2;
	s6 =	simm.s32 $0x108;
	_ =	swait.ge @!p0 [sflag:s8], $0x0  }
0x24: {  	s3 =	sadd.s32 $0x88, s3;
	s6 =	simm.s32 @!p1 $0x1082;
	[sflag:s4] =	ssyncset.s32 $0xFFFFF086  }
0x25: {  	[simem:s6], [sflag:s4] =	dma.local [hbm:s3], $0xF7A  }
0x26: {  	[smem:$0x3FA0] =	sst s1;
	(tag) =	ssettag s2;
	_ =	strace s9  }
0x27: {  	s1 =	sld [smem:$0x3FB0]  }
0x28: {  	s2 =	sld [smem:$0x3FB1]  }
0x29: {  	s4 =	sld [smem:$0x3FB3]  }
0x2a: {  	p0 =	seq.s32 s5, $0x0;
	s5 =	sld [smem:$0x3FB4]  }
0x2b: {  	s6 =	sld [smem:$0x3FB5]  }
0x2c: {  	s7 =	sld [smem:$0x3FB6]  }
0x2d: {  	s3 =	simm.s32 $0x108;
	s8 =	sld [smem:$0x3FB7]  }
0x2e: {  	s3 =	simm.s32 @!p0 $0x1082;
	s9 =	sld [smem:$0x3FB8]  }
0x2f: {  	lr =	sadd.s32 s0, s3;
	s0 =	sld [smem:$0x3FAF]  }
0x30: {  	s3 =	sld [smem:$0x3FB2]  }
0x31: {  	[smem:$0x3FBB] =	sst s10  }
0x32: {  	s10 =	sld [smem:$0x3FB9];
	_ =	sdelay $0x3  }
0x33: {  	p0 =	seq.s32 s10, $0x1;
	s10 =	sld [smem:$0x3FBB];
	_ =	sdelay $0x3  }
0x34: {  	[smem:$0x3FBB] =	sst s10  }
0x35: {  	s10 =	sld [smem:$0x3FBA];
	_ =	sdelay $0x3  }
0x36: {  	p1 =	seq.s32 s10, $0x1;
	s10 =	sld [smem:$0x3FBB];
	_ =	sdelay $0x3  }
0x37: {  	[smem:$0x3FBB] =	sst s10  }
0x38: {  	s10 =	sld [smem:$0x3FBC]  }
0x39: {  	_ = 	snop;
	(pc) =	sbr.ind lr, $3  }
0x3a: {  	_ = 	snop  }
0x3b: {  	_ = 	snop  }
0x3c: {  	p2 =	seq.s32 s10, $0x1;
	s10 =	sld [smem:$0x3FBB]  }
0x3d: {  	_ =	shalt  }
0x3e: {  	_ =	shalt  }
0x3f: {  	_ =	shalt  }
0x40: {  	_ =	shalt  }
0x41: {  	_ =	shalt  }
0x42: {  	_ =	shalt  }
0x43: {  	_ =	shalt  }
0x44: {  	_ =	shalt  }
0x45: {  	_ =	shalt  }
0x46: {  	_ =	shalt  }
0x47: {  	_ =	shalt  }
0x48: {  	_ =	shalt  }
0x49: {  	_ =	shalt  }
0x4a: {  	_ =	shalt  }
0x4b: {  	_ =	shalt  }
0x4c: {  	_ =	shalt  }
0x4d: {  	_ =	shalt  }
0x4e: {  	_ =	shalt  }
0x4f: {  	_ =	shalt  }
0x50: {  	_ =	shalt  }
0x51: {  	_ =	shalt  }
0x52: {  	_ =	shalt  }
0x53: {  	_ =	shalt  }
0x54: {  	_ =	shalt  }
0x55: {  	_ =	shalt  }
0x56: {  	_ =	shalt  }
0x57: {  	_ =	shalt  }
0x58: {  	_ =	shalt  }
0x59: {  	_ =	shalt  }
0x5a: {  	_ =	shalt  }
0x5b: {  	_ =	shalt  }
0x5c: {  	_ =	shalt  }
0x5d: {  	_ =	shalt  }
0x5e: {  	_ =	shalt  }
0x5f: {  	_ =	shalt  }
0x60: {  	_ =	shalt  }
0x61: {  	_ =	shalt  }
0x62: {  	_ =	shalt  }
0x63: {  	_ =	shalt  }
0x64: {  	_ =	shalt  }
0x65: {  	_ =	shalt  }
0x66: {  	_ =	shalt  }
0x67: {  	_ =	shalt  }
0x68: {  	_ =	shalt  }
0x69: {  	_ =	shalt  }
0x6a: {  	_ =	shalt  }
0x6b: {  	_ =	shalt  }
0x6c: {  	_ =	shalt  }
0x6d: {  	_ =	shalt  }
0x6e: {  	_ =	shalt  }
0x6f: {  	_ =	shalt  }
0x70: {  	_ =	shalt  }
0x71: {  	_ =	shalt  }
0x72: {  	_ =	shalt  }
0x73: {  	_ =	shalt  }
0x74: {  	_ =	shalt  }
0x75: {  	_ =	shalt  }
0x76: {  	_ =	shalt  }
0x77: {  	_ =	shalt  }
0x78: {  	_ =	shalt  }
0x79: {  	_ =	shalt  }
0x7a: {  	_ =	shalt  }
0x7b: {  	_ =	shalt  }
0x7c: {  	_ =	shalt  }
0x7d: {  	_ =	shalt  }
0x7e: {  	_ =	shalt  }
0x7f: {  	_ =	shalt  }
0x80: {  	_ =	shalt  }
0x81: {  	_ =	shalt  }
0x82: {  	_ =	shalt  }
0x83: {  	_ =	shalt  }
0x84: {  	_ =	shalt  }
0x85: {  	_ =	shalt  }
0x86: {  	_ =	shalt  }
0x87: {  	_ =	shalt  }
.Lfunc_end0:
.L_simem_size_0:
called_computation_lowered:
.L_overlay_start_0:
0x88: {  	s2 =	sld [smem:$0x3FD9]  }
0x89: {  	s3 =	sld [smem:$0x3FFE];
	_ =	sdelay $0x1  }
0x8a: {  	s1 =	srdreg.scid  }
0x8b: {  	s0 =	sand.u32 $0x1, s1  }
0x8c: {  	s17 =	sshll.u32 s0, $0xA;
	s2 =	sadd.s32 s3, s2  }
0x8d: {  	s2 =	sadd.s32 s2, s17  }
0x8e: {  	[smem:$0x3FC7] =	sst s2  }
0x8f: {  	_ = 	snop  }
0x90: {  	s2 =	sld [smem:$0x3FD0];
	(tm) =	ssettm $0x1  }
0x91: {  	s18 =	sld [smem:$0x3FFB];
	_ =	sdelay $0x3  }
0x92: {  	_ =	strace s18  }
0x93: {  	s3 =	sld [smem:$0x3FFC];
	_ =	sdelay $0x3  }
0x94: {  	_ =	strace s3  }
0x95: {  	s3 =	sld [smem:$0x3FFD];
	_ =	sdelay $0x3  }
0x96: {  	_ =	strace s3  }
0x97: {  	_ =	strace $0x8FFFFFFF  }
0x98: {  	s19 =	sld [smem:$0x3FDB];
	_ =	sdelay $0x1  }
0x99: {  	s4 =	simm.s32 $_scs_section_size  }
0x9a: {  	s5 =	simm.s32 $_size__tile_overlayer_lowered;
	s6 =	simm.s32 $_tile_overlayer_lowered  }
0x9b: {  	s22 =	simm.s32 $0x1BFF;
	s21 =	sshll.u32 s6, $0x1;
	s3 =	sadd.s32 s4, s19  }
0x9c: {  	s7 =	simm.s32 $0x0;
	s20 =	sshll.u32 s5, $0x1;
	s5 =	sadd.s32 s21, s3  }
0x9d: {  	[timem:s7], [sflag:s22] =	dma.local [hbm:s5], s20  }
0x9e: {  	_ =	swait.ge [sflag:s22], s20  }
0x9f: {  	s4 =	ssub.s32 $0x0, s20;
	[sflag:s22] =	ssyncset.done $0x0  }
0xa0: {  	[sflag:s22] =	ssyncadd.s32 s4;
	_ =	sdelay $0x1  }
0xa1: {  	s23 =	simm.s32 $0x1B8B  }
0xa2: {  	_ =	swait.ge [sflag:s23], $0x1  }
0xa3: {  	[sflag:s23] =	ssyncset.done $0x0  }
0xa4: {  	s25 =	simm.s32 $0x1B8E;
	s24 =	sld [smem:$0x3FFE];
	[sflag:s23] =	ssyncadd.s32 $0xFFFFFFFF  }
0xa5: {  	s26 =	simm.s32 $execute0_lowered;
	[smem:$0x3FD2] =	sst s25  }
0xa6: {  	s5 =	sshll.u32 s26, $0x1;
	_ =	strace $0x80000046;
	[dreg:$0x1] =	wrdreg $0xFFFFFFFF  }
0xa7: {  	s28 =	simm.s32 $_size_execute0_lowered;
	s3 =	sadd.s32 s3, s5;
	[dreg:$0x0] =	wrdreg $0x0  }
0xa8: {  	s5 =	sshll.u32 s28, $0x1;
	[dreg:$0x2] =	wrdreg s3  }
0xa9: {  	[dreg:$0x3] =	wrdreg s5  }
0xaa: {  	[dreg:$0x4] =	wrdreg $0xC0  }
0xab: {  	_ =	task [dreg:s7], $0x5FFFF  }
0xac: {  	[dreg:$0x1] =	wrdreg $0xFFFFFFFF  }
0xad: {  	[dreg:$0x0] =	wrdreg $0x60  }
0xae: {  	[dreg:$0x2] =	wrdreg s24  }
0xaf: {  	[dreg:$0x3] =	wrdreg s2  }
0xb0: {  	[dreg:$0x4] =	wrdreg $0x0  }
0xb1: {  	[dreg:$0x5] =	wrdreg $0x9  }
0xb2: {  	_ =	task.clear_ibuf [dreg:s7], $0x6FFFF;
	_ =	strace $0x90000046  }
0xb3: {  	s29 =	simm.s32 $0x9;
	_ =	strace $0x80000048  }
0xb4: {  	_ =	swait.ge [sflag:s29], $0x1  }
0xb5: {  	[sflag:s29] =	ssyncadd.s32 $0xFFFFFFFF  }
0xb6: {  	_ =	strace $0x90000048  }
0xb7: {  	_ =	sfence  }
0xb8: {  	s30 =	sld [smem:$0x0];
	_ =	sdelay $0x2  }
0xb9: {  	s31 =	sshll.u32 s1, $0xD;
	s1 =	sshrl.u32 s1, $0x2  }
0xba: {  	s3 =	sand.u32 $0x4000, s31;
	s1 =	sadd.s32 s1, s30  }
0xbb: {  	s0 =	sor.u32 s3, s0;
	s1 =	sshll.u32 s1, $0x11  }
0xbc: {  	s0 =	sor.u32 s1, s0  }
0xbd: {  	s0 =	sadd.s32 $0x8F2B, s0  }
0xbe: {  	[sflag:s0] =	ssyncadd.remote.s32 $0x1  }
0xbf: {  	_ =	sfence.sel $0xFFFF  }
0xc0: {  	[dreg:$0x0] =	wrdreg $0xFFFFFFFF;
	(pc) =	sbr.abs _section_cstart, $3  }
0xc1: {  	[dreg:$0x1] =	wrdreg $0xFFFFFFFF  }
0xc2: {  	_ =	task.clear_ibuf [dreg:s7], $0x2FFFF;
	_ =	strace $0x9FFFFFFF  }
0xc3: {  	(tm) =	ssettm $0x7FFFFFFF  }
tec
execute0_lowered:
.L_overlay_start_1:
0x0: {  	(tag) =	ssettag $0x1  }
0x1: {  	s2 =	rddreg [dreg:$0x0]  }
0x2: {  	s3 =	rddreg [dreg:$0x1]  }
0x3: {  	s0 =	srdreg.scid;
	s6 =	rddreg [dreg:$0x2]  }
0x4: {  	s1 =	simm.s32 $0x0;
	s4 =	sand.u32 $0x1, s0;
	s0 =	rddreg [dreg:$0x3]  }
0x5: {  	s8 =	stileid.u32;
	[smem:$0x7FF] =	sst s1  }
0x6: {  	s28 =	sshll.u32 s8, $0x13;
	s10 =	sshll.u32 s8, $0xE;
	s2 =	sadd.s32 $0x800, s2  }
0x7: {  	p0 =	sne.s32 s8, $0x0;
	s31 =	sshll.u32 s8, $0x6;
	s8 =	simm.s32 $0x1  }
0x8: {  	s5 =	ssub.s32 $0x2, s4;
	s9 =	sshll.u32 s4, $0xD;
	_ =	strace $0x80000047  }
0x9: {  	s4 =	sshll.u32 s4, $0x12;
	s7 =	sshrl.u32 s5, $0x1;
	s29 =	sor.u32 s10, s9  }
0xa: {  	s5 =	ssub.s32 s5, s7;
	s7 =	sadd.s32 s28, s3;
	s9 =	sxor.u32 $0x7FE00, s29  }
0xb: {  	s3 =	smax.u32 s5, $0x1;
	s4 =	sadd.s32 s4, s7;
	s30 =	sshrl.u32 s9, $0x2  }
0xc: {  	s7 =	sor.u32 $0x1C01, s31;
	s5 =	sadd.s32 s30, s6;
	s6 =	sshrl.u32 @!p0 s6, $0x3  }
.LBB2_1:
0xd: {  	s9 =	simm.s32 @!p0 $0x1C01  }
0xe: {  	[spmem:s6], [sflag:s9] =	dma.local @!p0 [hbm:s2], $0x8000  }
0xf: {  	s9 =	simm.s32 @!p0 $0x1  }
0x10: {  	_ =	swait.ge @!p0 [sflag:s9], $0x8000  }
0x11: {  	[sflag:s9] =	ssyncset.done @!p0 $0x0  }
0x12: {  	s31 =	sadd.s32 $0x0, s5;
	[sflag:s9] =	ssyncadd.s32 @!p0 $0xFFFF8000  }
0x13: {  	s9 =	sshrl.u32 s31, $0x3;
	[bflag:$0x0] =	sbarrier.arrive $0xFFFF  }
0x14: {  	[hbm:s4], [sflag:s7] =	dma.local [spmem:s9], $0x4000  }
0x15: {  	s10 =	smov.u32 s4;
	s9 =	simm.s32 $0xFFFFFE00;
	_ =	swait.ge [sflag:s8], $0x4000  }
.LBB2_2:
0x16: {  	s11 =	sshra.s32 s9, $0x2  }
0x17: {  	[sflag:s8] =	ssyncset.done $0x0;
	s10 =	sadd.s32 $0x4000, s10;
	p1 =	sne.s32 s9, $0xFFFFE200  }
.Ltmp0:
0x18: {  	s11 =	sadd.s32 s11, s5;
	[sflag:s8] =	ssyncadd.s32 $0xFFFFC000;
	(pc) =	sbr.rel @p1 .LBB2_2-.Ltmp0, $4  }
0x19: {  	s9 =	sadd.s32 $0xFFFFFE00, s9;
	s11 =	sshrl.u32 s11, $0x3  }
0x1a: {  	[hbm:s10], [sflag:s7] =	dma.local [spmem:s11], $0x4000  }
0x1b: {  	_ = 	snop  }
0x1c: {  	_ =	swait.ge [sflag:s8], $0x4000  }
0x1d: {  	s1 =	sadd.s32 $0x1, s1  }
0x1e: {  	p1 =	sne.s32 s1, s3  }
.Ltmp1:
0x1f: {  	_ = 	snop;
	(pc) =	sbr.rel @p1 .LBB2_1-.Ltmp1, $3  }
0x20: {  	_ =	sdelay $0x1  }
0x21: {  	[sflag:s8] =	ssyncset.done $0x0  }
0x22: {  	[sflag:s8] =	ssyncadd.s32 $0xFFFFC000  }
0x23: {  	_ =	sfence.sel $0x180000  }
0x24: {  	[bflag:$0x0] =	sbarrier.arrive $0xFFFF  }
0x25: {  	_ =	strace $0x90000047  }
0x26: {  	s0 =	sadd.s32 @!p0 $0x100000, s0;
	[bflag:$0x2] =	sbarrier.arrive $0xFFFF  }
0x27: {  	[sflag:s0] =	ssyncadd.tile.s32 @!p0 $0x1;
	_ =	shalt  }
.Lfunc_end2:
_tile_overlayer_lowered:
.L_overlay_start_2:
0x28: {  	(tag) =	ssettag $0x2  }
0x29: {  	s0 =	rddreg [dreg:$0x0];
	s2 =	stileid.u32  }
0x2a: {  	s1 =	rddreg [dreg:$0x1];
	p0 =	sne.s32 s2, $0x0  }
0x2b: {  	s3 =	rddreg [dreg:$0x2];
	[bflag:$0x3] =	sbarrier.arrive $0xFFFF;
	s2 =	simm.s32 @!p0 $0x1C01  }
0x2c: {  	[timem:s3], [sflag:s2] =	dma.local @!p0 [hbm:s0], s1  }
0x2d: {  	s0 =	simm.s32 @!p0 $0x1  }
0x2e: {  	_ =	swait.ge @!p0 [sflag:s0], s1  }
0x2f: {  	s1 =	ssub.s32 @!p0 $0x0, s1;
	[sflag:s0] =	ssyncset.done @!p0 $0x0  }
0x30: {  	[sflag:s0] =	ssyncadd.s32 @!p0 s1  }
0x31: {  	[bflag:$0x3] =	sbarrier.arrive $0xFFFF  }
0x32: {  	_ =	shalt  }

</sc_bundles>
